<compile_context>
chip_gen: v7x
topology: tpu7x:2x2x1
jax: 0.10.2.dev20260603
libtpu: 0.0.44.dev20260713+nightly
codegen_flags: <defaults>
</compile_context>

<pallas_src>
import functools

import jax
import jax.numpy as jnp
from jax import lax
from jax.experimental import pallas as pl
from jax.experimental.pallas import tpu as pltpu
from jax.experimental.pallas import tpu_sc as plsc

B = 100
N = 1000
E = 128

_GPAD = 128
_B_CHUNKS = 5
_BC = B // _B_CHUNKS


def _sc_gather(feat2d, cur_node):
    mesh = plsc.VectorSubcoreMesh(
        core_axis_name="c", subcore_axis_name="s", num_cores=1)

    @functools.partial(
        pl.kernel,
        out_type=jax.ShapeDtypeStruct((_GPAD, E), jnp.float32),
        mesh=mesh,
        scratch_types=[
            pltpu.VMEM((_GPAD,), jnp.int32),
            pltpu.VMEM((16, E), jnp.float32),
            pltpu.SemaphoreType.DMA,
        ],
    )
    def gather_kernel(feat_hbm, cn_hbm, out_hbm, idx_v, rows_v, sem):
        wid = lax.axis_index("s") * 2 + lax.axis_index("c")

        @pl.when(wid < _GPAD // 16)
        def _():
            pltpu.sync_copy(cn_hbm, idx_v.at[pl.ds(0, B)])
            base = wid * 16
            rows = base + lax.iota(jnp.int32, 16)
            cn = idx_v[pl.ds(base, 16)]
            flat = jnp.where(rows < B, cn + rows * N, 0)
            pltpu.async_copy(feat_hbm.at[flat], rows_v, sem).wait()
            pltpu.sync_copy(rows_v, out_hbm.at[pl.ds(base, 16)])

    return gather_kernel(feat2d, cur_node)


def _stream_body(feat_ref, w5_ref, b5_ref, w6_ref, b6_ref, qa_ref, acc_ref):
    i = pl.program_id(0)

    acc_ref[i] = jnp.sum(feat_ref[...], axis=1)

    @pl.when(i == _B_CHUNKS - 1)
    def _():
        feat_sum = acc_ref[...]
        b6 = jnp.reshape(b6_ref[...], (1, 1, E))
        h1 = jnp.dot(feat_sum, w6_ref[...],
                     preferred_element_type=jnp.float32) + b6
        w5a = w5_ref[...][:E]
        b5 = jnp.reshape(b5_ref[...], (1, 1, 1))
        qa_ref[...] = jnp.dot(jnp.maximum(h1, 0.0), w5a,
                              preferred_element_type=jnp.float32) + b5


def _tc_stream(feat, w5, b5, w6, b6):
    full = lambda shape: pl.BlockSpec(shape, lambda i: (0,) * len(shape))
    return pl.pallas_call(
        _stream_body,
        grid=(_B_CHUNKS,),
        in_specs=[
            pl.BlockSpec((_BC, N, E), lambda i: (i, 0, 0)),
            full((2 * E, 1)),
            full((1,)),
            full((E, E)),
            full((E,)),
        ],
        out_specs=pl.BlockSpec((_B_CHUNKS, _BC, 1), lambda i: (0, 0, 0)),
        out_shape=jax.ShapeDtypeStruct((_B_CHUNKS, _BC, 1), jnp.float32),
        scratch_shapes=[pltpu.VMEM((_B_CHUNKS, _BC, E), jnp.float32)],
    )(feat, w5, b5, w6, b6)


def _combine_body(qa_ref, cur_ref, act_ref, stc_ref, w5_ref,
                  w7_ref, b7_ref, w8_ref, b8_ref, w9_ref, b9_ref, q_ref):
    cur = cur_ref[...][:B]
    h2 = (jnp.dot(cur, w7_ref[...], preferred_element_type=jnp.float32)
          + jnp.reshape(b7_ref[...], (1, E))
          + act_ref[...] * w8_ref[...] + jnp.reshape(b8_ref[...], (1, E))
          + stc_ref[...] * w9_ref[...] + jnp.reshape(b9_ref[...], (1, E)))
    w5b = w5_ref[...][E:]
    qa = jnp.reshape(qa_ref[...], (B, 1))
    q_ref[...] = qa + jnp.dot(jnp.maximum(h2, 0.0), w5b,
                              preferred_element_type=jnp.float32)


def _tc_combine(qa, cur_pad, action, state_c, w5, w7, b7, w8, b8, w9, b9):
    return pl.pallas_call(
        _combine_body,
        out_shape=jax.ShapeDtypeStruct((B, 1), jnp.float32),
    )(qa, cur_pad, action, state_c, w5, w7, b7, w8, b8, w9, b9)


def kernel(feat, cur_node, action, state_c, W5, b5, W6, b6, W7, b7, W8, b8,
           W9, b9):
    feat2d = feat.reshape(B * N, E)
    cur_pad = _sc_gather(feat2d, cur_node.astype(jnp.int32))
    qa = _tc_stream(feat, W5, b5, W6, b6)
    return _tc_combine(qa, cur_pad, action, state_c, W5, W7, b7, W8, b8,
                       W9, b9)

# --- scband reference (transcript-rebuilt; emitter-appended) ---
"""Pipeline reference for scband-qfuction-27771258536764 (READ-ONLY COPY).

The authoritative reference and input builder live on the scoring server;
editing this copy changes nothing except your own understanding.
"""

import jax, jax.numpy as jnp
import numpy as np

B = 100
N = 1000
E = 128

def setup_inputs(seed: int = 0) -> dict:
    key = jax.random.key(seed)
    ks = jax.random.split(key, 16)
    feat = jax.random.normal(ks[0], (B, N, E), dtype=jnp.float32)
    cur_node = jax.random.randint(ks[1], (B,), 0, N, dtype=jnp.int64) if jax.config.jax_enable_x64 else jax.random.randint(ks[1], (B,), 0, N, dtype=jnp.int32)
    action = jax.random.normal(ks[2], (B, 1), dtype=jnp.float32)
    state_c = jax.random.normal(ks[3], (B, 1), dtype=jnp.float32)
    # learned parameters (torch nn.Linear equivalents, stored as [in, out])
    W5 = jax.random.normal(ks[4], (2 * E, 1), dtype=jnp.float32) * 0.05
    b5 = jnp.zeros((1,), dtype=jnp.float32)
    W6 = jax.random.normal(ks[5], (E, E), dtype=jnp.float32) * 0.05
    b6 = jnp.zeros((E,), dtype=jnp.float32)
    W7 = jax.random.normal(ks[6], (E, E), dtype=jnp.float32) * 0.05
    b7 = jnp.zeros((E,), dtype=jnp.float32)
    W8 = jax.random.normal(ks[7], (1, E), dtype=jnp.float32) * 0.05
    b8 = jnp.zeros((E,), dtype=jnp.float32)
    W9 = jax.random.normal(ks[8], (1, E), dtype=jnp.float32) * 0.05
    b9 = jnp.zeros((E,), dtype=jnp.float32)
    return {"feat": feat, "cur_node": cur_node, "action": action, "state_c": state_c,
            "W5": W5, "b5": b5, "W6": W6, "b6": b6, "W7": W7, "b7": b7,
            "W8": W8, "b8": b8, "W9": W9, "b9": b9}

def reference(feat, cur_node, action, state_c, W5, b5, W6, b6, W7, b7, W8, b8, W9, b9):
    # _agglob: SumPooling over each graph (equal-sized graphs stacked on axis 0) then theta6
    feat_sum = jnp.sum(feat, axis=1)                       # [B, E]
    h1 = feat_sum @ W6 + b6                                 # [B, E]
    # _aggcur: gather current node feature per graph (state.v), theta7 + theta8(action) + theta9(state.c)
    cur_feat = jnp.take_along_axis(feat, cur_node[:, None, None].astype(jnp.int32) * jnp.ones((1, 1, 1), dtype=jnp.int32), axis=1)[:, 0, :]  # [B, E]
    h2 = cur_feat @ W7 + b7 + action @ W8 + b8 + state_c @ W9 + b9  # [B, E]
    h = jax.nn.relu(jnp.concatenate([h1, h2], axis=1))      # [B, 2E]
    q = h @ W5 + b5                                         # [B, 1]
    return q

if __name__ == "__main__":
    import jax
    _d = setup_inputs()
    print(jax.jit(kernel)(*tuple(_d.values())))

</pallas_src>

<mosaic_0001>
#map = affine_map<(d0, d1) -> (0, 0)>
#map1 = affine_map<(d0, d1) -> (0)>
module attributes {stable_mosaic.version = 14 : i64} {
  func.func @gather_kernel(%arg0: i32, %arg1: i32, %arg2: memref<100000x128xf32, #tpu.memory_space<hbm>>, %arg3: memref<100xi32, #tpu.memory_space<hbm>>, %arg4: memref<128x128xf32, #tpu.memory_space<hbm>>, %arg5: memref<128xi32, #tpu.memory_space<vmem>>, %arg6: memref<16x128xf32, #tpu.memory_space<vmem>>, %arg7: memref<!tpu.dma_semaphore, #tpu.memory_space<semaphore_mem>>) attributes {dimension_semantics = [#tpu.dimension_semantics<core_parallel>, #tpu.dimension_semantics<subcore_parallel>], iteration_bounds = array<i64: 1, 16>, scalar_prefetch = 0 : i64, scratch_operands = 3 : i64, tpu.core_type = #tpu.core_type<sc_vector_subcore>, window_params = [{transform_indices = #map}, {transform_indices = #map1}, {transform_indices = #map}]} {
    %mul3A = arith.constant 2 : i32
    %mul3A_0 = arith.muli %arg1, %mul3A : i32
    %add3A = arith.addi %mul3A_0, %arg0 : i32
    %lt3A = arith.constant 8 : i32
    %lt3A_1 = arith.cmpi slt, %add3A, %lt3A : i32
    %convert_element_type3A = arith.extui %lt3A_1 : i1 to i32
    %cond3A = arith.constant 0 : i32
    %cond3A_2 = arith.cmpi ne, %convert_element_type3A, %cond3A : i32
    scf.if %cond3A_2 {
      "tpu.region"() ({
        %run_scoped3A = tpu.sem_alloc : memref<!tpu.dma_semaphore, #tpu.memory_space<semaphore_mem>>
        %dma_start3A_20 = arith.constant 0 : i32
        %dma_start3A_21 = tpu.memref_slice %arg5[%dma_start3A_20] : memref<128xi32, #tpu.memory_space<vmem>> -> memref<100xi32, #tpu.memory_space<vmem>>
        %dma_start3A_22 = arith.constant 0 : i32
        %dma_start3A_23 = tpu.memref_slice %arg5[%dma_start3A_22] : memref<128xi32, #tpu.memory_space<vmem>> -> memref<100xi32, #tpu.memory_space<vmem>>
        tpu.enqueue_dma source(%arg3 : memref<100xi32, #tpu.memory_space<hbm>>) target(%dma_start3A_23 : memref<100xi32, #tpu.memory_space<vmem>>) target_semaphore(%run_scoped3A : memref<!tpu.dma_semaphore, #tpu.memory_space<semaphore_mem>>)
        %dma_wait3A_24 = arith.constant 0 : i32
        %dma_wait3A_25 = tpu.memref_slice %arg5[%dma_wait3A_24] : memref<128xi32, #tpu.memory_space<vmem>> -> memref<100xi32, #tpu.memory_space<vmem>>
        %dma_wait3A_26 = arith.constant 0 : i32
        %dma_wait3A_27 = tpu.memref_slice %arg5[%dma_wait3A_26] : memref<128xi32, #tpu.memory_space<vmem>> -> memref<100xi32, #tpu.memory_space<vmem>>
        tpu.wait_dma2 semaphore(%run_scoped3A : memref<!tpu.dma_semaphore, #tpu.memory_space<semaphore_mem>>) src(%arg3 : memref<100xi32, #tpu.memory_space<hbm>>) dst(%dma_wait3A_27 : memref<100xi32, #tpu.memory_space<vmem>>)
        tpu.yield
      }) : () -> ()
      %mul3A_3 = arith.constant 16 : i32
      %mul3A_4 = arith.muli %add3A, %mul3A_3 : i32
      %iota3A = tpu.iota {dimensions = array<i32: 0>} : vector<16xi32>
      %add3A_5 = vector.broadcast %mul3A_4 : i32 to vector<16xi32>
      %add3A_6 = arith.addi %add3A_5, %iota3A : vector<16xi32>
      %get3A = arith.index_cast %mul3A_4 : i32 to index
      %get3A_7 = tpu.vector_load %arg5[%get3A] {strides = array<i32>} : memref<128xi32, #tpu.memory_space<vmem>>, vector<16xi32>,
      %get3A_8 = vector.shape_cast %get3A_7 : vector<16xi32> to vector<16xi32>
      %lt3A_9 = arith.constant 100 : i32
      %lt3A_10 = vector.broadcast %lt3A_9 : i32 to vector<16xi32>
      %lt3A_11 = arith.cmpi slt, %add3A_6, %lt3A_10 : vector<16xi32>
      %mul3A_12 = arith.constant 1000 : i32
      %mul3A_13 = vector.broadcast %mul3A_12 : i32 to vector<16xi32>
      %mul3A_14 = arith.muli %add3A_6, %mul3A_13 : vector<16xi32>
      %add3A_15 = arith.addi %get3A_8, %mul3A_14 : vector<16xi32>
      %jit3A = arith.constant 0 : i32
      %broadcast_in_dim3A = vector.broadcast %jit3A : i32 to vector<16xi32>
      %select_n3A = arith.select %lt3A_11, %add3A_15, %broadcast_in_dim3A : vector<16xi1>, vector<16xi32>
      %dma_start3A = arith.constant 0 : i32
      %dma_start3A_16 = arith.constant 0 : i32
      %dma_start3A_17 = tpu.memref_slice %arg2[%dma_start3A, %dma_start3A_16] : memref<100000x128xf32, #tpu.memory_space<hbm>> -> memref<100000x128xf32, #tpu.memory_space<hbm>>
      tpu.enqueue_indirect_dma source(%dma_start3A_17 : memref<100000x128xf32, #tpu.memory_space<hbm>>) target(%arg6 : memref<16x128xf32, #tpu.memory_space<vmem>>) offsets(%select_n3A : vector<16xi32>) semaphore(%arg7 : memref<!tpu.dma_semaphore, #tpu.memory_space<semaphore_mem>>)
      %dma_wait3A = arith.constant 0 : i32
      %dma_wait3A_18 = arith.constant 0 : i32
      %dma_wait3A_19 = tpu.memref_slice %arg2[%dma_wait3A, %dma_wait3A_18] : memref<100000x128xf32, #tpu.memory_space<hbm>> -> memref<100000x128xf32, #tpu.memory_space<hbm>>
      tpu.wait_indirect_dma semaphore(%arg7 : memref<!tpu.dma_semaphore, #tpu.memory_space<semaphore_mem>>) src(%dma_wait3A_19 : memref<100000x128xf32, #tpu.memory_space<hbm>>) dst(%arg6 : memref<16x128xf32, #tpu.memory_space<vmem>>)
      "tpu.region"() ({
        %run_scoped3A = tpu.sem_alloc : memref<!tpu.dma_semaphore, #tpu.memory_space<semaphore_mem>>
        %dma_start3A_20 = arith.constant 0 : i32
        %dma_start3A_21 = tpu.memref_slice %arg4[%mul3A_4, %dma_start3A_20] : memref<128x128xf32, #tpu.memory_space<hbm>> -> memref<16x128xf32, #tpu.memory_space<hbm>>
        %dma_start3A_22 = arith.constant 0 : i32
        %dma_start3A_23 = tpu.memref_slice %arg4[%mul3A_4, %dma_start3A_22] : memref<128x128xf32, #tpu.memory_space<hbm>> -> memref<16x128xf32, #tpu.memory_space<hbm>>
        tpu.enqueue_dma source(%arg6 : memref<16x128xf32, #tpu.memory_space<vmem>>) target(%dma_start3A_23 : memref<16x128xf32, #tpu.memory_space<hbm>>) target_semaphore(%run_scoped3A : memref<!tpu.dma_semaphore, #tpu.memory_space<semaphore_mem>>)
        %dma_wait3A_24 = arith.constant 0 : i32
        %dma_wait3A_25 = tpu.memref_slice %arg4[%mul3A_4, %dma_wait3A_24] : memref<128x128xf32, #tpu.memory_space<hbm>> -> memref<16x128xf32, #tpu.memory_space<hbm>>
        %dma_wait3A_26 = arith.constant 0 : i32
        %dma_wait3A_27 = tpu.memref_slice %arg4[%mul3A_4, %dma_wait3A_26] : memref<128x128xf32, #tpu.memory_space<hbm>> -> memref<16x128xf32, #tpu.memory_space<hbm>>
        tpu.wait_dma2 semaphore(%run_scoped3A : memref<!tpu.dma_semaphore, #tpu.memory_space<semaphore_mem>>) src(%arg6 : memref<16x128xf32, #tpu.memory_space<vmem>>) dst(%dma_wait3A_27 : memref<16x128xf32, #tpu.memory_space<hbm>>)
        tpu.yield
      }) : () -> ()
    } else {
    }
    return
  }
}

module attributes {stable_mosaic.version = 14 : i64} {
  func.func @_combine_body(%arg0: memref<5x20x1xf32, #tpu.memory_space<vmem>>, %arg1: memref<128x128xf32, #tpu.memory_space<vmem>>, %arg2: memref<100x1xf32, #tpu.memory_space<vmem>>, %arg3: memref<100x1xf32, #tpu.memory_space<vmem>>, %arg4: memref<256x1xf32, #tpu.memory_space<vmem>>, %arg5: memref<128x128xf32, #tpu.memory_space<vmem>>, %arg6: memref<128xf32, #tpu.memory_space<vmem>>, %arg7: memref<1x128xf32, #tpu.memory_space<vmem>>, %arg8: memref<128xf32, #tpu.memory_space<vmem>>, %arg9: memref<1x128xf32, #tpu.memory_space<vmem>>, %arg10: memref<128xf32, #tpu.memory_space<vmem>>, %arg11: memref<100x1xf32, #tpu.memory_space<vmem>>) attributes {dimension_semantics = [], scalar_prefetch = 0 : i64, scratch_operands = 0 : i64, tpu.core_type = #tpu.core_type<tc>} {
    %get3A = arith.constant 0 : index
    %get3A_0 = arith.constant 0 : index
    %get3A_1 = vector.load %arg1[%get3A, %get3A_0] : memref<128x128xf32, #tpu.memory_space<vmem>>, vector<128x128xf32>
    %slice3A = vector.extract_strided_slice %get3A_1 {offsets = [0, 0], sizes = [100, 128], strides = [1, 1]} : vector<128x128xf32> to vector<100x128xf32>
    %get3A_2 = arith.constant 0 : index
    %get3A_3 = arith.constant 0 : index
    %get3A_4 = vector.load %arg5[%get3A_2, %get3A_3] : memref<128x128xf32, #tpu.memory_space<vmem>>, vector<128x128xf32>
    %dot_general3A = arith.constant dense<0.000000e+00> : vector<100x128xf32>
    %dot_general3A_5 = tpu.matmul %slice3A, %get3A_4, %dot_general3A {dimension_numbers = #tpu.dot_dimension_numbers<[1], [0], [0], [1], [0, 0, 1, 1], [], []>, transpose_lhs_hint = false} : vector<100x128xf32>, vector<128x128xf32>, vector<100x128xf32> -> vector<100x128xf32>
    %get3A_6 = arith.constant 0 : index
    %get3A_7 = vector.load %arg6[%get3A_6] : memref<128xf32, #tpu.memory_space<vmem>>, vector<128xf32>
    %reshape3A = vector.shape_cast %get3A_7 : vector<128xf32> to vector<1x128xf32>
    %add3A = vector.broadcast %reshape3A : vector<1x128xf32> to vector<100x128xf32>
    %add3A_8 = arith.addf %dot_general3A_5, %add3A : vector<100x128xf32>
    %get3A_9 = arith.constant 0 : index
    %get3A_10 = arith.constant 0 : index
    %get3A_11 = vector.load %arg2[%get3A_9, %get3A_10] : memref<100x1xf32, #tpu.memory_space<vmem>>, vector<100x1xf32>
    %get3A_12 = arith.constant 0 : index
    %get3A_13 = arith.constant 0 : index
    %get3A_14 = vector.load %arg7[%get3A_12, %get3A_13] : memref<1x128xf32, #tpu.memory_space<vmem>>, vector<1x128xf32>
    %mul3A = vector.broadcast %get3A_11 : vector<100x1xf32> to vector<100x128xf32>
    %mul3A_15 = vector.broadcast %get3A_14 : vector<1x128xf32> to vector<100x128xf32>
    %mul3A_16 = arith.mulf %mul3A, %mul3A_15 : vector<100x128xf32>
    %add3A_17 = arith.addf %add3A_8, %mul3A_16 : vector<100x128xf32>
    %get3A_18 = arith.constant 0 : index
    %get3A_19 = vector.load %arg8[%get3A_18] : memref<128xf32, #tpu.memory_space<vmem>>, vector<128xf32>
    %reshape3A_20 = vector.shape_cast %get3A_19 : vector<128xf32> to vector<1x128xf32>
    %add3A_21 = vector.broadcast %reshape3A_20 : vector<1x128xf32> to vector<100x128xf32>
    %add3A_22 = arith.addf %add3A_17, %add3A_21 : vector<100x128xf32>
    %get3A_23 = arith.constant 0 : index
    %get3A_24 = arith.constant 0 : index
    %get3A_25 = vector.load %arg3[%get3A_23, %get3A_24] : memref<100x1xf32, #tpu.memory_space<vmem>>, vector<100x1xf32>
    %get3A_26 = arith.constant 0 : index
    %get3A_27 = arith.constant 0 : index
    %get3A_28 = vector.load %arg9[%get3A_26, %get3A_27] : memref<1x128xf32, #tpu.memory_space<vmem>>, vector<1x128xf32>
    %mul3A_29 = vector.broadcast %get3A_25 : vector<100x1xf32> to vector<100x128xf32>
    %mul3A_30 = vector.broadcast %get3A_28 : vector<1x128xf32> to vector<100x128xf32>
    %mul3A_31 = arith.mulf %mul3A_29, %mul3A_30 : vector<100x128xf32>
    %add3A_32 = arith.addf %add3A_22, %mul3A_31 : vector<100x128xf32>
    %get3A_33 = arith.constant 0 : index
    %get3A_34 = vector.load %arg10[%get3A_33] : memref<128xf32, #tpu.memory_space<vmem>>, vector<128xf32>
    %reshape3A_35 = vector.shape_cast %get3A_34 : vector<128xf32> to vector<1x128xf32>
    %add3A_36 = vector.broadcast %reshape3A_35 : vector<1x128xf32> to vector<100x128xf32>
    %add3A_37 = arith.addf %add3A_32, %add3A_36 : vector<100x128xf32>
    %get3A_38 = arith.constant 0 : index
    %get3A_39 = arith.constant 0 : index
    %get3A_40 = vector.load %arg4[%get3A_38, %get3A_39] : memref<256x1xf32, #tpu.memory_space<vmem>>, vector<256x1xf32>
    %slice3A_41 = vector.extract_strided_slice %get3A_40 {offsets = [128, 0], sizes = [128, 1], strides = [1, 1]} : vector<256x1xf32> to vector<128x1xf32>
    %get3A_42 = arith.constant 0 : index
    %get3A_43 = arith.constant 0 : index
    %get3A_44 = arith.constant 0 : index
    %get3A_45 = vector.load %arg0[%get3A_42, %get3A_43, %get3A_44] : memref<5x20x1xf32, #tpu.memory_space<vmem>>, vector<5x20x1xf32>
    %reshape3A_46 = vector.shape_cast %get3A_45 : vector<5x20x1xf32> to vector<100x1xf32>
    %max3A = arith.constant 0.000000e+00 : f32
    %max3A_47 = vector.broadcast %max3A : f32 to vector<100x128xf32>
    %max3A_48 = arith.maximumf %add3A_37, %max3A_47 : vector<100x128xf32>
    %dot_general3A_49 = arith.constant dense<0.000000e+00> : vector<100x1xf32>
    %dot_general3A_50 = tpu.matmul %max3A_48, %slice3A_41, %dot_general3A_49 {dimension_numbers = #tpu.dot_dimension_numbers<[1], [0], [0], [1], [0, 0, 1, 1], [], []>, transpose_lhs_hint = false} : vector<100x128xf32>, vector<128x1xf32>, vector<100x1xf32> -> vector<100x1xf32>
    %add3A_51 = arith.addf %reshape3A_46, %dot_general3A_50 : vector<100x1xf32>
    %swap3A = arith.constant 0 : index
    %swap3A_52 = arith.constant 0 : index
    %swap3A_53 = vector.load %arg11[%swap3A, %swap3A_52] : memref<100x1xf32, #tpu.memory_space<vmem>>, vector<100x1xf32>
    tpu.vector_store %arg11[%swap3A, %swap3A_52], %add3A_51 {strides = array<i32>} : memref<100x1xf32, #tpu.memory_space<vmem>>, vector<100x1xf32>,
    return
  }
}

module attributes {stable_mosaic.version = 14 : i64} {
  func.func @_stream_body(%arg0: i32, %arg1: memref<20x1000x128xf32, #tpu.memory_space<vmem>>, %arg2: memref<256x1xf32, #tpu.memory_space<vmem>>, %arg3: memref<1xf32, #tpu.memory_space<vmem>>, %arg4: memref<128x128xf32, #tpu.memory_space<vmem>>, %arg5: memref<128xf32, #tpu.memory_space<vmem>>, %arg6: memref<5x20x1xf32, #tpu.memory_space<vmem>>, %arg7: memref<5x20x128xf32, #tpu.memory_space<vmem>>) attributes {dimension_semantics = [#tpu.dimension_semantics<arbitrary>], iteration_bounds = array<i64: 5>, scalar_prefetch = 0 : i64, scratch_operands = 1 : i64, tpu.core_type = #tpu.core_type<tc>, window_params = [{transform_indices = @transform_0, window_bounds = array<i64: 20, 1000, 128>}, {pipeline_mode = #tpu.pipeline_mode<synchronous>, transform_indices = @transform_1, window_bounds = array<i64: 256, 1>}, {pipeline_mode = #tpu.pipeline_mode<synchronous>, transform_indices = @transform_2, window_bounds = array<i64: 1>}, {pipeline_mode = #tpu.pipeline_mode<synchronous>, transform_indices = @transform_3, window_bounds = array<i64: 128, 128>}, {pipeline_mode = #tpu.pipeline_mode<synchronous>, transform_indices = @transform_4, window_bounds = array<i64: 128>}, {pipeline_mode = #tpu.pipeline_mode<synchronous>, transform_indices = @transform_5, window_bounds = array<i64: 5, 20, 1>}]} {
    %get3A = arith.constant 0 : index
    %get3A_0 = arith.constant 0 : index
    %get3A_1 = arith.constant 0 : index
    %get3A_2 = vector.load %arg1[%get3A, %get3A_0, %get3A_1] : memref<20x1000x128xf32, #tpu.memory_space<vmem>>, vector<20x1000x128xf32>
    %reduce_sum3A = arith.constant dense<0.000000e+00> : vector<20x128xf32>
    %reduce_sum3A_3 = vector.multi_reduction <add>, %get3A_2, %reduce_sum3A [1] : vector<20x1000x128xf32> to vector<20x128xf32>
    %swap3A = arith.index_cast %arg0 : i32 to index
    %swap3A_4 = arith.constant 0 : index
    %swap3A_5 = arith.constant 0 : index
    %swap3A_6 = vector.load %arg7[%swap3A, %swap3A_4, %swap3A_5] : memref<5x20x128xf32, #tpu.memory_space<vmem>>, vector<1x20x128xf32>
    %swap3A_7 = vector.shape_cast %swap3A_6 : vector<1x20x128xf32> to vector<20x128xf32>
    %swap3A_8 = vector.shape_cast %reduce_sum3A_3 : vector<20x128xf32> to vector<1x20x128xf32>
    tpu.vector_store %arg7[%swap3A, %swap3A_4, %swap3A_5], %swap3A_8 {strides = array<i32>} : memref<5x20x128xf32, #tpu.memory_space<vmem>>, vector<1x20x128xf32>,
    %eq3A = arith.constant 4 : i32
    %eq3A_9 = arith.cmpi eq, %arg0, %eq3A : i32
    %convert_element_type3A = arith.extui %eq3A_9 : i1 to i32
    %cond3A = arith.constant 0 : i32
    %cond3A_10 = arith.cmpi ne, %convert_element_type3A, %cond3A : i32
    scf.if %cond3A_10 {
      %get3A_11 = arith.constant 0 : index
      %get3A_12 = arith.constant 0 : index
      %get3A_13 = arith.constant 0 : index
      %get3A_14 = vector.load %arg7[%get3A_11, %get3A_12, %get3A_13] : memref<5x20x128xf32, #tpu.memory_space<vmem>>, vector<5x20x128xf32>
      %get3A_15 = arith.constant 0 : index
      %get3A_16 = vector.load %arg5[%get3A_15] : memref<128xf32, #tpu.memory_space<vmem>>, vector<128xf32>
      %reshape3A = vector.shape_cast %get3A_16 : vector<128xf32> to vector<1x1x128xf32>
      %get3A_17 = arith.constant 0 : index
      %get3A_18 = arith.constant 0 : index
      %get3A_19 = vector.load %arg4[%get3A_17, %get3A_18] : memref<128x128xf32, #tpu.memory_space<vmem>>, vector<128x128xf32>
      %dot_general3A = arith.constant dense<0.000000e+00> : vector<5x20x128xf32>
      %dot_general3A_20 = tpu.matmul %get3A_14, %get3A_19, %dot_general3A {dimension_numbers = #tpu.dot_dimension_numbers<[2], [0], [0, 1], [1], [0, 0, 0, 1, 1, 1], [], []>, transpose_lhs_hint = false} : vector<5x20x128xf32>, vector<128x128xf32>, vector<5x20x128xf32> -> vector<5x20x128xf32>
      %add3A = vector.broadcast %reshape3A : vector<1x1x128xf32> to vector<5x20x128xf32>
      %add3A_21 = arith.addf %dot_general3A_20, %add3A : vector<5x20x128xf32>
      %get3A_22 = arith.constant 0 : index
      %get3A_23 = arith.constant 0 : index
      %get3A_24 = vector.load %arg2[%get3A_22, %get3A_23] : memref<256x1xf32, #tpu.memory_space<vmem>>, vector<256x1xf32>
      %slice3A = vector.extract_strided_slice %get3A_24 {offsets = [0, 0], sizes = [128, 1], strides = [1, 1]} : vector<256x1xf32> to vector<128x1xf32>
      %get3A_25 = arith.constant 0 : index
      %get3A_26 = vector.load %arg3[%get3A_25] : memref<1xf32, #tpu.memory_space<vmem>>, vector<1xf32>
      %reshape3A_27 = vector.shape_cast %get3A_26 : vector<1xf32> to vector<1x1x1xf32>
      %max3A = arith.constant 0.000000e+00 : f32
      %max3A_28 = vector.broadcast %max3A : f32 to vector<5x20x128xf32>
      %max3A_29 = arith.maximumf %add3A_21, %max3A_28 : vector<5x20x128xf32>
      %dot_general3A_30 = arith.constant dense<0.000000e+00> : vector<5x20x1xf32>
      %dot_general3A_31 = tpu.matmul %max3A_29, %slice3A, %dot_general3A_30 {dimension_numbers = #tpu.dot_dimension_numbers<[2], [0], [0, 1], [1], [0, 0, 0, 1, 1, 1], [], []>, transpose_lhs_hint = false} : vector<5x20x128xf32>, vector<128x1xf32>, vector<5x20x1xf32> -> vector<5x20x1xf32>
      %add3A_32 = vector.broadcast %reshape3A_27 : vector<1x1x1xf32> to vector<5x20x1xf32>
      %add3A_33 = arith.addf %dot_general3A_31, %add3A_32 : vector<5x20x1xf32>
      %swap3A_34 = arith.constant 0 : index
      %swap3A_35 = arith.constant 0 : index
      %swap3A_36 = arith.constant 0 : index
      %swap3A_37 = vector.load %arg6[%swap3A_34, %swap3A_35, %swap3A_36] : memref<5x20x1xf32, #tpu.memory_space<vmem>>, vector<5x20x1xf32>
      tpu.vector_store %arg6[%swap3A_34, %swap3A_35, %swap3A_36], %add3A_33 {strides = array<i32>} : memref<5x20x1xf32, #tpu.memory_space<vmem>>, vector<5x20x1xf32>,
    } else {
    }
    return
  }
  func.func @transform_0(%arg0: i32) -> (i32, i32, i32) {
    %c0_i32 = arith.constant 0 : i32
    %c0_i32_0 = arith.constant 0 : i32
    %c0_i32_1 = arith.constant 0 : i32
    return %arg0, %c0_i32, %c0_i32_0 : i32, i32, i32
  }
  func.func @transform_1(%arg0: i32) -> (i32, i32) {
    %c0_i32 = arith.constant 0 : i32
    %c0_i32_0 = arith.constant 0 : i32
    %c0_i32_1 = arith.constant 0 : i32
    return %c0_i32, %c0_i32_0 : i32, i32
  }
  func.func @transform_2(%arg0: i32) -> i32 {
    %c0_i32 = arith.constant 0 : i32
    %c0_i32_0 = arith.constant 0 : i32
    return %c0_i32 : i32
  }
  func.func @transform_3(%arg0: i32) -> (i32, i32) {
    %c0_i32 = arith.constant 0 : i32
    %c0_i32_0 = arith.constant 0 : i32
    %c0_i32_1 = arith.constant 0 : i32
    return %c0_i32, %c0_i32_0 : i32, i32
  }
  func.func @transform_4(%arg0: i32) -> i32 {
    %c0_i32 = arith.constant 0 : i32
    %c0_i32_0 = arith.constant 0 : i32
    return %c0_i32 : i32
  }
  func.func @transform_5(%arg0: i32) -> (i32, i32, i32) {
    %c0_i32 = arith.constant 0 : i32
    %c0_i32_0 = arith.constant 0 : i32
    %c0_i32_1 = arith.constant 0 : i32
    %c0_i32_2 = arith.constant 0 : i32
    return %c0_i32, %c0_i32_0, %c0_i32_1 : i32, i32, i32
  }
}

</mosaic_0001>

<sc_bundles>
// kernel: kernel.5.cloned.1.call-start
scs
__scs_entry_jumppad:
0x0: {  	(pc) =	sbr.rel $0x88, $3  }
0x1: {  	(tag) =	ssettag $0x0;
	lr =	simm.s32 $0x1  }
0x2: {  	[smem:$0x3F93] =	sst lr;
	_ =	strace $0xD0000000  }
0x3: {  	_ = 	snop  }
0x4: {  	_ = 	snop  }
0x5: {  	_ = 	snop  }
0x6: {  	_ = 	snop  }
0x7: {  	_ = 	snop  }
__scs_overlays_trampoline_lowered:
0x8: {  	[smem:$0x3FA2] =	sst s0  }
0x9: {  	[smem:$0x3FA3] =	sst s1  }
0xa: {  	[smem:$0x3FA4] =	sst s2  }
0xb: {  	[smem:$0x3FA5] =	sst s3  }
0xc: {  	[smem:$0x3FA6] =	sst s4  }
0xd: {  	[smem:$0x3FA7] =	sst s5  }
0xe: {  	[smem:$0x3FA8] =	sst s6  }
0xf: {  	[smem:$0x3FA9] =	sst s7  }
0x10: {  	[smem:$0x3FAA] =	sst s8  }
0x11: {  	[smem:$0x3FAB] =	sst s9;
	s0 =	simm.s32 @!p0 $0x0  }
0x12: {  	s1 =	sld [smem:$0x3F91];
	s0 =	simm.s32 @p0 $0x1  }
0x13: {  	[smem:$0x3FAC] =	sst s0;
	s0 =	simm.s32 @!p1 $0x0  }
0x14: {  	s2 =	sld [smem:$0x3F90];
	s0 =	simm.s32 @p1 $0x1  }
0x15: {  	[smem:$0x3FAD] =	sst s0;
	s0 =	simm.s32 @!p2 $0x0  }
0x16: {  	s3 =	sld [smem:$0x3FDB];
	s0 =	simm.s32 @p2 $0x1  }
0x17: {  	s4 =	simm.s32 $0x1BF5;
	[smem:$0x3FAF] =	sst s0  }
0x18: {  	s0 =	sld [smem:$0x3F92];
	_ =	swait.ge [sflag:s4], $0x0  }
0x19: {  	s7 =	sld [smem:$0x3F93]  }
0x1a: {  	s8 =	sadd.s32 $0xFFFFE003, lr  }
0x1b: {  	s9 =	sadd.s32 $0xFFFFFEF7, lr;
	s5 =	simm.s32 $0xFFFFFFFF;
	p2 =	slt.u32 s8, $0xFFFFF086  }
0x1c: {  	p1 =	slt.u32 s9, $0xF7A;
	s5 =	simm.s32 @!p2 $0x0  }
0x1d: {  	s5 =	simm.s32 @p1 $0x1;
	p0 =	seq.s32 s7, s2  }
0x1e: {  	s7 =	smul.u32 @!p0 $0xF7A, s2;
	p2 =	seq.s32 @!p0 s5, $0x0  }
0x1f: {  	s9 =	smul.u32 $0xF7A, s1;
	s8 =	simm.s32 @!p0 $0x1BF5;
	p2 =	por !p2, p0  }
0x20: {  	[sflag:s8] =	ssyncset.s32 @!p0 $0xFFFFF086;
	s6 =	sadd.s32 @!p0 s3, s7;
	s7 =	simm.s32 @!p0 $0x108  }
0x21: {  	s3 =	sadd.s32 s3, s9;
	s6 =	sadd.s32 @!p0 $0x88, s6;
	s7 =	simm.s32 @p2 $0x1082  }
0x22: {  	[simem:s7], [sflag:s8] =	dma.local @!p0 [hbm:s6], $0xF7A  }
0x23: {  	s9 =	sor.u32 $0xD0000000, s2;
	s6 =	simm.s32 $0x108;
	_ =	swait.ge @!p0 [sflag:s8], $0x0  }
0x24: {  	s3 =	sadd.s32 $0x88, s3;
	s6 =	simm.s32 @!p1 $0x1082;
	[sflag:s4] =	ssyncset.s32 $0xFFFFF086  }
0x25: {  	[simem:s6], [sflag:s4] =	dma.local [hbm:s3], $0xF7A  }
0x26: {  	[smem:$0x3F93] =	sst s1;
	(tag) =	ssettag s2;
	_ =	strace s9  }
0x27: {  	s1 =	sld [smem:$0x3FA3]  }
0x28: {  	s2 =	sld [smem:$0x3FA4]  }
0x29: {  	s4 =	sld [smem:$0x3FA6]  }
0x2a: {  	p0 =	seq.s32 s5, $0x0;
	s5 =	sld [smem:$0x3FA7]  }
0x2b: {  	s6 =	sld [smem:$0x3FA8]  }
0x2c: {  	s7 =	sld [smem:$0x3FA9]  }
0x2d: {  	s3 =	simm.s32 $0x108;
	s8 =	sld [smem:$0x3FAA]  }
0x2e: {  	s3 =	simm.s32 @!p0 $0x1082;
	s9 =	sld [smem:$0x3FAB]  }
0x2f: {  	lr =	sadd.s32 s0, s3;
	s0 =	sld [smem:$0x3FA2]  }
0x30: {  	s3 =	sld [smem:$0x3FA5]  }
0x31: {  	[smem:$0x3FAE] =	sst s10  }
0x32: {  	s10 =	sld [smem:$0x3FAC];
	_ =	sdelay $0x3  }
0x33: {  	p0 =	seq.s32 s10, $0x1;
	s10 =	sld [smem:$0x3FAE];
	_ =	sdelay $0x3  }
0x34: {  	[smem:$0x3FAE] =	sst s10  }
0x35: {  	s10 =	sld [smem:$0x3FAD];
	_ =	sdelay $0x3  }
0x36: {  	p1 =	seq.s32 s10, $0x1;
	s10 =	sld [smem:$0x3FAE];
	_ =	sdelay $0x3  }
0x37: {  	[smem:$0x3FAE] =	sst s10  }
0x38: {  	s10 =	sld [smem:$0x3FAF]  }
0x39: {  	_ = 	snop;
	(pc) =	sbr.ind lr, $3  }
0x3a: {  	_ = 	snop  }
0x3b: {  	_ = 	snop  }
0x3c: {  	p2 =	seq.s32 s10, $0x1;
	s10 =	sld [smem:$0x3FAE]  }
0x3d: {  	_ =	shalt  }
0x3e: {  	_ =	shalt  }
0x3f: {  	_ =	shalt  }
0x40: {  	_ =	shalt  }
0x41: {  	_ =	shalt  }
0x42: {  	_ =	shalt  }
0x43: {  	_ =	shalt  }
0x44: {  	_ =	shalt  }
0x45: {  	_ =	shalt  }
0x46: {  	_ =	shalt  }
0x47: {  	_ =	shalt  }
0x48: {  	_ =	shalt  }
0x49: {  	_ =	shalt  }
0x4a: {  	_ =	shalt  }
0x4b: {  	_ =	shalt  }
0x4c: {  	_ =	shalt  }
0x4d: {  	_ =	shalt  }
0x4e: {  	_ =	shalt  }
0x4f: {  	_ =	shalt  }
0x50: {  	_ =	shalt  }
0x51: {  	_ =	shalt  }
0x52: {  	_ =	shalt  }
0x53: {  	_ =	shalt  }
0x54: {  	_ =	shalt  }
0x55: {  	_ =	shalt  }
0x56: {  	_ =	shalt  }
0x57: {  	_ =	shalt  }
0x58: {  	_ =	shalt  }
0x59: {  	_ =	shalt  }
0x5a: {  	_ =	shalt  }
0x5b: {  	_ =	shalt  }
0x5c: {  	_ =	shalt  }
0x5d: {  	_ =	shalt  }
0x5e: {  	_ =	shalt  }
0x5f: {  	_ =	shalt  }
0x60: {  	_ =	shalt  }
0x61: {  	_ =	shalt  }
0x62: {  	_ =	shalt  }
0x63: {  	_ =	shalt  }
0x64: {  	_ =	shalt  }
0x65: {  	_ =	shalt  }
0x66: {  	_ =	shalt  }
0x67: {  	_ =	shalt  }
0x68: {  	_ =	shalt  }
0x69: {  	_ =	shalt  }
0x6a: {  	_ =	shalt  }
0x6b: {  	_ =	shalt  }
0x6c: {  	_ =	shalt  }
0x6d: {  	_ =	shalt  }
0x6e: {  	_ =	shalt  }
0x6f: {  	_ =	shalt  }
0x70: {  	_ =	shalt  }
0x71: {  	_ =	shalt  }
0x72: {  	_ =	shalt  }
0x73: {  	_ =	shalt  }
0x74: {  	_ =	shalt  }
0x75: {  	_ =	shalt  }
0x76: {  	_ =	shalt  }
0x77: {  	_ =	shalt  }
0x78: {  	_ =	shalt  }
0x79: {  	_ =	shalt  }
0x7a: {  	_ =	shalt  }
0x7b: {  	_ =	shalt  }
0x7c: {  	_ =	shalt  }
0x7d: {  	_ =	shalt  }
0x7e: {  	_ =	shalt  }
0x7f: {  	_ =	shalt  }
0x80: {  	_ =	shalt  }
0x81: {  	_ =	shalt  }
0x82: {  	_ =	shalt  }
0x83: {  	_ =	shalt  }
0x84: {  	_ =	shalt  }
0x85: {  	_ =	shalt  }
0x86: {  	_ =	shalt  }
0x87: {  	_ =	shalt  }
.Lfunc_end0:
.L_simem_size_0:
called_computation_lowered:
.L_overlay_start_0:
0x88: {  	s0 =	sld [smem:$0x3FD9]  }
0x89: {  	s1 =	sld [smem:$0x3FFE];
	_ =	sdelay $0x3  }
0x8a: {  	s0 =	sadd.s32 s1, s0  }
0x8b: {  	[smem:$0x3FBA] =	sst s0  }
0x8c: {  	_ = 	snop  }
0x8d: {  	s0 =	sld [smem:$0x3FC9]  }
0x8e: {  	s16 =	sld [smem:$0x3FC8];
	(tm) =	ssettm $0x1  }
0x8f: {  	s2 =	sld [smem:$0x3FFB];
	_ =	sdelay $0x3  }
0x90: {  	_ =	strace s2  }
0x91: {  	s2 =	sld [smem:$0x3FFC];
	_ =	sdelay $0x3  }
0x92: {  	_ =	strace s2  }
0x93: {  	s2 =	sld [smem:$0x3FFD];
	_ =	sdelay $0x3  }
0x94: {  	_ =	strace s2  }
0x95: {  	_ =	strace $0x8FFFFFFF  }
0x96: {  	s17 =	sld [smem:$0x3FDB];
	_ =	sdelay $0x1  }
0x97: {  	s3 =	simm.s32 $_scs_section_size  }
0x98: {  	s4 =	simm.s32 $_size__tile_overlayer_lowered;
	s5 =	simm.s32 $_tile_overlayer_lowered  }
0x99: {  	s20 =	simm.s32 $0x1BFF;
	s19 =	sshll.u32 s5, $0x1;
	s2 =	sadd.s32 s3, s17  }
0x9a: {  	s6 =	simm.s32 $0x0;
	s18 =	sshll.u32 s4, $0x1;
	s4 =	sadd.s32 s19, s2  }
0x9b: {  	[timem:s6], [sflag:s20] =	dma.local [hbm:s4], s18  }
0x9c: {  	_ =	swait.ge [sflag:s20], s18  }
0x9d: {  	s3 =	ssub.s32 $0x0, s18;
	[sflag:s20] =	ssyncset.done $0x0  }
0x9e: {  	[sflag:s20] =	ssyncadd.s32 s3;
	_ =	sdelay $0x1  }
0x9f: {  	s21 =	simm.s32 $0x1B8B  }
0xa0: {  	_ =	swait.ge [sflag:s21], $0x1  }
0xa1: {  	[sflag:s21] =	ssyncset.done $0x0  }
0xa2: {  	s23 =	simm.s32 $0x1B8E;
	s22 =	sld [smem:$0x3FFE];
	[sflag:s21] =	ssyncadd.s32 $0xFFFFFFFF  }
0xa3: {  	s24 =	simm.s32 $execute0_lowered;
	[smem:$0x3FD2] =	sst s23  }
0xa4: {  	s4 =	sshll.u32 s24, $0x1;
	_ =	strace $0x80000046;
	[dreg:$0x1] =	wrdreg $0xFFFFFFFF  }
0xa5: {  	s25 =	simm.s32 $_size_execute0_lowered;
	s2 =	sadd.s32 s2, s4;
	[dreg:$0x0] =	wrdreg $0x0  }
0xa6: {  	s4 =	sshll.u32 s25, $0x1;
	[dreg:$0x2] =	wrdreg s2  }
0xa7: {  	[dreg:$0x3] =	wrdreg s4  }
0xa8: {  	[dreg:$0x4] =	wrdreg $0xC0  }
0xa9: {  	_ =	task [dreg:s6], $0x5FFFF  }
0xaa: {  	[dreg:$0x1] =	wrdreg $0xFFFFFFFF  }
0xab: {  	[dreg:$0x0] =	wrdreg $0x60  }
0xac: {  	[dreg:$0x2] =	wrdreg s0  }
0xad: {  	[dreg:$0x3] =	wrdreg s16  }
0xae: {  	[dreg:$0x4] =	wrdreg s22  }
0xaf: {  	[dreg:$0x5] =	wrdreg $0x9  }
0xb0: {  	_ =	task.clear_ibuf [dreg:s6], $0x6FFFF;
	_ =	strace $0x90000046  }
0xb1: {  	s26 =	simm.s32 $0x9;
	_ =	strace $0x80000048  }
0xb2: {  	_ =	swait.ge [sflag:s26], $0x1  }
0xb3: {  	[sflag:s26] =	ssyncadd.s32 $0xFFFFFFFF  }
0xb4: {  	_ =	strace $0x90000048  }
0xb5: {  	_ =	sfence  }
0xb6: {  	s28 =	sld [smem:$0x0];
	_ =	sdelay $0x1  }
0xb7: {  	s29 =	srdreg.scid  }
0xb8: {  	s30 =	sshll.u32 s29, $0xD;
	s31 =	sshrl.u32 s29, $0x2  }
0xb9: {  	s1 =	sand.u32 $0x1, s29;
	s2 =	sand.u32 $0x4000, s30;
	s0 =	sadd.s32 s31, s28  }
0xba: {  	s1 =	sor.u32 s2, s1;
	s0 =	sshll.u32 s0, $0x11  }
0xbb: {  	s0 =	sor.u32 s0, s1  }
0xbc: {  	s0 =	sadd.s32 $0x8F2B, s0  }
0xbd: {  	[sflag:s0] =	ssyncadd.remote.s32 $0x1  }
0xbe: {  	_ =	sfence.sel $0xFFFF  }
0xbf: {  	[dreg:$0x0] =	wrdreg $0xFFFFFFFF;
	(pc) =	sbr.abs _section_cstart, $3  }
0xc0: {  	[dreg:$0x1] =	wrdreg $0xFFFFFFFF  }
0xc1: {  	_ =	task.clear_ibuf [dreg:s6], $0x2FFFF;
	_ =	strace $0x9FFFFFFF  }
0xc2: {  	(tm) =	ssettm $0x7FFFFFFF  }
0xc3: {  	_ =	shalt  }
tec
execute0_lowered:
.L_overlay_start_1:
0x0: {  	(tag) =	ssettag $0x1  }
0x1: {  	s0 =	rddreg [dreg:$0x0]  }
0x2: {  	s1 =	rddreg [dreg:$0x1]  }
0x3: {  	s2 =	rddreg [dreg:$0x2];
	s4 =	simm.s32 $0x0;
	s5 =	stileid.u32  }
0x4: {  	[smem:$0x7FF] =	sst s4;
	p0 =	sgt.u32 s5, $0x3  }
0x5: {  	s3 =	rddreg [dreg:$0x3];
	_ =	strace $0x80000047;
	s4 =	simm.s32 @!p0 $0x0  }
0x6: {  	[tilespmem:s4], [sflag:$0x2] =	stream.linear.gather @!p0 [hbm4b:s1+s4], $0x64, $0x38;
	[tilespmem:$0x880] =	vst v63  }
0x7: {  	s1 =	simm.s32 @!p0 $0x2  }
0x8: {  	_ =	swait.ge @!p0 [sflag:s1], $0x64  }
0x9: {  	[sflag:s1] =	ssyncset.done @!p0 $0x0  }
0xa: {  	s6 =	sshll.u32 @!p0 s5, $0x5;
	[sflag:s1] =	ssyncadd.s32 @!p0 $0xFFFFFF9C  }
0xb: {  	v0 =	vld @!p0 [tilespmem:s6+$0x0]  }
0xc: {  	v1 =	vlaneseq.u32 @!p0  }
0xd: {  	v1 =	vor.u32 @!p0 s6, v1  }
0xe: {  	v2 =	vmul.u32 @!p0 $0x3E8, v1;
	_ =	sdelay $0x1  }
0xf: {  	vm0 =	vlt.u32 @!p0 v1, $0x64;
	v0 =	vadd.s32 @!p0 v2, v0  }
0x10: {  	v0 =	vnsel @!p0 vm0, $0x0, v0;
	_ =	sdelay $0x3  }
0x11: {  	s6 =	simm.s32 @!p0 $0x80;
	vm0 =	vmmov @!p0 $0xffff  }
0x12: {  	[tilespmem:s6], [sflag:$0x1] =	stream.indirect_vreg.gather @!p0 [hbm4b:s0+s4], $0x80, v0, vm0, $0xb8;
	[tilespmem:$0x880] =	vst v63  }
0x13: {  	s0 =	simm.s32 @!p0 $0x1  }
0x14: {  	_ =	swait.ge @!p0 [sflag:s0], $0x800  }
0x15: {  	s2 =	sadd.s32 $0x1C00, s2;
	s7 =	sshll.u32 @!p0 s5, $0x9;
	[sflag:s0] =	ssyncset.done @!p0 $0x0  }
0x16: {  	s2 =	sadd.s32 @!p0 s2, s7;
	[sflag:s0] =	ssyncadd.s32 @!p0 $0xFFFFF800  }
0x17: {  	[hbm4b:s2+s4] =	stream.linear.scatter @!p0 [tilespmem:s6], [sflag:$0x2], $0x800, $0x38;
	[tilespmem:$0x880] =	vst v63  }
0x18: {  	_ =	swait.ge @!p0 [sflag:s1], $0x800  }
0x19: {  	[sflag:s1] =	ssyncset.done @!p0 $0x0  }
0x1a: {  	[sflag:s1] =	ssyncadd.s32 @!p0 $0xFFFFF800  }
0x1b: {  	_ =	sfence.sel $0x180000  }
0x1c: {  	[bflag:$0x0] =	sbarrier.arrive $0xFFFF  }
0x1d: {  	p0 =	sne.s32 s5, $0x0;
	_ =	strace $0x90000047  }
0x1e: {  	s0 =	sadd.s32 @!p0 $0x100000, s3;
	[bflag:$0x2] =	sbarrier.arrive $0xFFFF  }
0x1f: {  	[sflag:s0] =	ssyncadd.tile.s32 @!p0 $0x1;
	_ =	shalt  }
.Lfunc_end2:
_tile_overlayer_lowered:
.L_overlay_start_2:
0x20: {  	(tag) =	ssettag $0x2  }
0x21: {  	s0 =	rddreg [dreg:$0x0];
	s2 =	stileid.u32  }
0x22: {  	s1 =	rddreg [dreg:$0x1];
	p0 =	sne.s32 s2, $0x0  }
0x23: {  	s3 =	rddreg [dreg:$0x2];
	[bflag:$0x3] =	sbarrier.arrive $0xFFFF;
	s2 =	simm.s32 @!p0 $0x1C02  }
0x24: {  	[timem:s3], [sflag:s2] =	dma.local @!p0 [hbm:s0], s1  }
0x25: {  	s0 =	simm.s32 @!p0 $0x2  }
0x26: {  	_ =	swait.ge @!p0 [sflag:s0], s1  }
0x27: {  	s1 =	ssub.s32 @!p0 $0x0, s1;
	[sflag:s0] =	ssyncset.done @!p0 $0x0  }
0x28: {  	[sflag:s0] =	ssyncadd.s32 @!p0 s1  }
0x29: {  	[bflag:$0x3] =	sbarrier.arrive $0xFFFF  }
0x2a: {  	_ =	shalt  }

</sc_bundles>
